<compile_context>
chip_gen: v7x
topology: tpu7x:2x2x1
jax: 0.10.2.dev20260603
libtpu: 0.0.44.dev20260713+nightly
codegen_flags: <defaults>
</compile_context>

<pallas_src>
import functools

import jax
import jax.numpy as jnp
from jax import lax
from jax.experimental import pallas as pl
from jax.experimental.pallas import tpu as pltpu
from jax.experimental.pallas import tpu_sc as plsc

EMBED_DIM = 256
N_AG = 10000
N_TASK = 10000
N_NODES = N_AG + N_TASK
DEG = 16
N_EDGES = N_AG * DEG
FIN_TASK_TYPE = 3
NEG_SLOPE = 0.01

_NC = 2
_NS = 16
_NW = _NC * _NS
_AG_PER = 320
_EDGE_PER = _AG_PER * DEG

_TC_ROWS = 8192


def _tc_project_body(nf_ref, w_ref, t_ref, a_ref, b_ref):
    x = nf_ref[...]
    w = w_ref[...]
    p = lax.dot_general(
        w, x, dimension_numbers=(((1,), (1,)), ((), ())),
        preferred_element_type=jnp.float32)
    fin = t_ref[...] == FIN_TASK_TYPE
    a_ref[...] = jnp.where(fin, -jnp.inf, p[0, :])
    b_ref[...] = p[1, :]


def _tc_project(nf, node_type, w2):
    return pl.pallas_call(
        _tc_project_body,
        grid=(pl.cdiv(N_NODES, _TC_ROWS),),
        in_specs=[
            pl.BlockSpec((_TC_ROWS, EMBED_DIM), lambda i: (i, 0)),
            pl.BlockSpec((2, EMBED_DIM), lambda i: (0, 0)),
            pl.BlockSpec((_TC_ROWS,), lambda i: (i,)),
        ],
        out_specs=[
            pl.BlockSpec((_TC_ROWS,), lambda i: (i,)),
            pl.BlockSpec((_TC_ROWS,), lambda i: (i,)),
        ],
        out_shape=[
            jax.ShapeDtypeStruct((N_NODES,), jnp.float32),
            jax.ShapeDtypeStruct((N_NODES,), jnp.float32),
        ],
    )(nf, w2, node_type)


def _sc_softmax_body(a_hbm, b_hbm, ei_hbm, out_hbm, a_v, b_v, idx_v, out_v,
                     sem_a, sem_b, sem_i):
    wid = lax.axis_index("s") * _NC + lax.axis_index("c")
    base = jnp.minimum(wid * _AG_PER, N_AG - _AG_PER)
    ebase = base * DEG
    c_a = pltpu.async_copy(a_hbm.at[pl.ds(N_AG, N_TASK)], a_v, sem_a)
    c_b = pltpu.async_copy(b_hbm.at[pl.ds(base, _AG_PER)],
                           b_v.at[pl.ds(0, _AG_PER)], sem_b)
    c_i = pltpu.async_copy(ei_hbm.at[0].at[pl.ds(ebase, _EDGE_PER)], idx_v,
                           sem_i)
    c_a.wait()
    c_b.wait()
    c_i.wait()

    @plsc.parallel_loop(0, _AG_PER, unroll=8)
    def _(i):
        idx = idx_v[pl.ds(i * DEG, DEG)] - N_AG
        av = plsc.load_gather(a_v, [idx])
        bg = b_v[pl.ds(i, DEG)][0]
        s = av + bg
        s = jnp.where(s >= 0, s, s * NEG_SLOPE)
        m = jnp.max(s)
        e = jnp.exp(s - m)
        out_v[pl.ds(i * DEG, DEG)] = e / jnp.sum(e)

    pltpu.sync_copy(out_v, out_hbm.at[pl.ds(ebase, _EDGE_PER)])


@functools.cache
def _sc_softmax_kernel():
    return pl.kernel(
        _sc_softmax_body,
        out_type=jax.ShapeDtypeStruct((N_EDGES,), jnp.float32),
        mesh=plsc.VectorSubcoreMesh(
            core_axis_name="c", subcore_axis_name="s",
            num_cores=_NC, num_subcores=_NS),
        scratch_types=[
            pltpu.VMEM((N_TASK,), jnp.float32),
            pltpu.VMEM((_AG_PER + DEG,), jnp.float32),
            pltpu.VMEM((_EDGE_PER,), jnp.int32),
            pltpu.VMEM((_EDGE_PER,), jnp.float32),
            pltpu.SemaphoreType.DMA,
            pltpu.SemaphoreType.DMA,
            pltpu.SemaphoreType.DMA,
        ],
        compiler_params=pltpu.CompilerParams(needs_layout_passes=False),
    )


def kernel(nf, edge_index, node_type, W_att):
    w2 = W_att.reshape(2, EMBED_DIM)
    a_full, b_full = _tc_project(nf, node_type, w2)
    flat = _sc_softmax_kernel()(a_full, b_full, edge_index)
    return flat.reshape(N_AG, DEG)

# --- scband reference (transcript-rebuilt; emitter-appended) ---
"""Pipeline reference for scband-bipartite-14027363189301 (READ-ONLY COPY).

The authoritative reference and input builder live on the scoring server;
editing this copy changes nothing except your own understanding.
"""

import jax, jax.numpy as jnp
import numpy as np

EMBED_DIM = 256
N_AG = 10000
N_TASK = 10000
N_NODES = N_AG + N_TASK
DEG = 16
N_EDGES = N_AG * DEG
FIN_TASK_TYPE = 3
NEG_SLOPE = 0.01  # nn.LeakyReLU default


def setup_inputs(seed: int = 0) -> dict:
    key = jax.random.key(seed)
    k1, k2, k3, k4 = jax.random.split(key, 4)
    nf = jax.random.normal(k1, (N_NODES, EMBED_DIM), dtype=jnp.float32)
    # bipartite edges: src are task nodes (indices N_AG..N_NODES-1),
    # dst are agent nodes; every agent has a fixed in-degree DEG
    # (DGL groups mailbox by degree; fixed degree -> policy is [N_AG, DEG])
    src = jax.random.randint(k2, (N_EDGES,), N_AG, N_NODES, dtype=jnp.int32)
    dst = jnp.repeat(jnp.arange(N_AG, dtype=jnp.int32), DEG)
    edge_index = jnp.stack([src, dst], axis=0)
    # node types: ~10% of nodes get FIN_TASK_type == 3 (finished tasks)
    node_type = jax.random.randint(k3, (N_NODES,), 0, 10, dtype=jnp.int32)
    # attention_fc: Linear(2*d, 1, bias=False); torch default uniform init
    bound = 1.0 / np.sqrt(2 * EMBED_DIM)
    W_att = jax.random.uniform(k4, (2 * EMBED_DIM, 1), dtype=jnp.float32, minval=-bound, maxval=bound)
    return {"nf": nf, "edge_index": edge_index, "node_type": node_type, "W_att": W_att}


def reference(nf, edge_index, node_type, W_att):
    src = edge_index[0]
    dst = edge_index[1]
    # message: score = LeakyReLU(Linear(cat([src_nf, dst_nf])))
    src_nf = jnp.take(nf, src, axis=0)
    dst_nf = jnp.take(nf, dst, axis=0)
    m = jnp.concatenate([src_nf, dst_nf], axis=1)
    score = jax.nn.leaky_relu(m @ W_att, negative_slope=NEG_SLOPE)  # [E, 1]
    # mask messages from finished task nodes with -inf (as in message())
    finished = jnp.take(node_type, src) == FIN_TASK_TYPE
    score = jnp.where(finished[:, None], -jnp.inf, score)
    # reduce: softmax over each agent's mailbox (fixed degree DEG), squeeze
    mailbox = score.reshape(N_AG, DEG)  # edges are grouped/sorted by dst agent
    policy = jax.nn.softmax(mailbox, axis=1)
    # policy gathered at agent node indices -> [N_AG, DEG]
    return policy

if __name__ == "__main__":
    import jax
    _d = setup_inputs()
    print(jax.jit(kernel)(*tuple(_d.values())))

</pallas_src>

<mosaic_0001>
#map = affine_map<(d0, d1) -> (0)>
#map1 = affine_map<(d0, d1) -> (0, 0)>
module attributes {stable_mosaic.version = 14 : i64} {
  func.func @_sc_softmax_body(%arg0: i32, %arg1: i32, %arg2: memref<20000xf32, #tpu.memory_space<hbm>>, %arg3: memref<20000xf32, #tpu.memory_space<hbm>>, %arg4: memref<2x160000xi32, #tpu.memory_space<hbm>>, %arg5: memref<160000xf32, #tpu.memory_space<hbm>>, %arg6: memref<10000xf32, #tpu.memory_space<vmem>>, %arg7: memref<336xf32, #tpu.memory_space<vmem>>, %arg8: memref<5120xi32, #tpu.memory_space<vmem>>, %arg9: memref<5120xf32, #tpu.memory_space<vmem>>, %arg10: memref<!tpu.dma_semaphore, #tpu.memory_space<semaphore_mem>>, %arg11: memref<!tpu.dma_semaphore, #tpu.memory_space<semaphore_mem>>, %arg12: memref<!tpu.dma_semaphore, #tpu.memory_space<semaphore_mem>>) attributes {dimension_semantics = [#tpu.dimension_semantics<core_parallel>, #tpu.dimension_semantics<subcore_parallel>], iteration_bounds = array<i64: 2, 16>, scalar_prefetch = 0 : i64, scratch_operands = 7 : i64, tpu.core_type = #tpu.core_type<sc_vector_subcore>, window_params = [{transform_indices = #map}, {transform_indices = #map}, {transform_indices = #map1}, {transform_indices = #map}]} {
    %mul3A = arith.constant 2 : i32
    %mul3A_0 = arith.muli %arg1, %mul3A : i32
    %add3A = arith.addi %mul3A_0, %arg0 : i32
    %mul3A_1 = arith.constant 320 : i32
    %mul3A_2 = arith.muli %add3A, %mul3A_1 : i32
    %min3A = arith.constant 9680 : i32
    %min3A_3 = arith.minsi %mul3A_2, %min3A : i32
    %mul3A_4 = arith.constant 16 : i32
    %mul3A_5 = arith.muli %min3A_3, %mul3A_4 : i32
    %dma_start3A = arith.constant 10000 : i32
    %dma_start3A_6 = tpu.memref_slice %arg2[%dma_start3A] : memref<20000xf32, #tpu.memory_space<hbm>> -> memref<10000xf32, #tpu.memory_space<hbm>>
    %dma_start3A_7 = arith.constant 10000 : i32
    %dma_start3A_8 = tpu.memref_slice %arg2[%dma_start3A_7] : memref<20000xf32, #tpu.memory_space<hbm>> -> memref<10000xf32, #tpu.memory_space<hbm>>
    tpu.enqueue_dma source(%dma_start3A_8 : memref<10000xf32, #tpu.memory_space<hbm>>) target(%arg6 : memref<10000xf32, #tpu.memory_space<vmem>>) target_semaphore(%arg10 : memref<!tpu.dma_semaphore, #tpu.memory_space<semaphore_mem>>)
    %dma_start3A_9 = arith.constant 0 : i32
    %dma_start3A_10 = tpu.memref_slice %arg7[%dma_start3A_9] : memref<336xf32, #tpu.memory_space<vmem>> -> memref<320xf32, #tpu.memory_space<vmem>>
    %dma_start3A_11 = tpu.memref_slice %arg3[%min3A_3] : memref<20000xf32, #tpu.memory_space<hbm>> -> memref<320xf32, #tpu.memory_space<hbm>>
    %dma_start3A_12 = arith.constant 0 : i32
    %dma_start3A_13 = tpu.memref_slice %arg7[%dma_start3A_12] : memref<336xf32, #tpu.memory_space<vmem>> -> memref<320xf32, #tpu.memory_space<vmem>>
    %dma_start3A_14 = tpu.memref_slice %arg3[%min3A_3] : memref<20000xf32, #tpu.memory_space<hbm>> -> memref<320xf32, #tpu.memory_space<hbm>>
    tpu.enqueue_dma source(%dma_start3A_14 : memref<320xf32, #tpu.memory_space<hbm>>) target(%dma_start3A_13 : memref<320xf32, #tpu.memory_space<vmem>>) target_semaphore(%arg11 : memref<!tpu.dma_semaphore, #tpu.memory_space<semaphore_mem>>)
    %dma_start3A_15 = arith.constant 0 : i32
    %dma_start3A_16 = arith.constant 0 : i32
    %dma_start3A_17 = tpu.memref_slice %arg4[%dma_start3A_15, %dma_start3A_16] : memref<2x160000xi32, #tpu.memory_space<hbm>> -> memref<1x160000xi32, #tpu.memory_space<hbm>>
    %dma_start3A_18 = tpu.memref_squeeze %dma_start3A_17 : memref<1x160000xi32, #tpu.memory_space<hbm>> -> memref<160000xi32, #tpu.memory_space<hbm>>
    %dma_start3A_19 = tpu.memref_slice %dma_start3A_18[%mul3A_5] : memref<160000xi32, #tpu.memory_space<hbm>> -> memref<5120xi32, #tpu.memory_space<hbm>>
    %dma_start3A_20 = arith.constant 0 : i32
    %dma_start3A_21 = tpu.memref_slice %arg4[%dma_start3A_15, %dma_start3A_20] : memref<2x160000xi32, #tpu.memory_space<hbm>> -> memref<1x160000xi32, #tpu.memory_space<hbm>>
    %dma_start3A_22 = tpu.memref_squeeze %dma_start3A_21 : memref<1x160000xi32, #tpu.memory_space<hbm>> -> memref<160000xi32, #tpu.memory_space<hbm>>
    %dma_start3A_23 = tpu.memref_slice %dma_start3A_22[%mul3A_5] : memref<160000xi32, #tpu.memory_space<hbm>> -> memref<5120xi32, #tpu.memory_space<hbm>>
    tpu.enqueue_dma source(%dma_start3A_23 : memref<5120xi32, #tpu.memory_space<hbm>>) target(%arg8 : memref<5120xi32, #tpu.memory_space<vmem>>) target_semaphore(%arg12 : memref<!tpu.dma_semaphore, #tpu.memory_space<semaphore_mem>>)
    %dma_wait3A = arith.constant 10000 : i32
    %dma_wait3A_24 = tpu.memref_slice %arg2[%dma_wait3A] : memref<20000xf32, #tpu.memory_space<hbm>> -> memref<10000xf32, #tpu.memory_space<hbm>>
    %dma_wait3A_25 = arith.constant 10000 : i32
    %dma_wait3A_26 = tpu.memref_slice %arg2[%dma_wait3A_25] : memref<20000xf32, #tpu.memory_space<hbm>> -> memref<10000xf32, #tpu.memory_space<hbm>>
    tpu.wait_dma2 semaphore(%arg10 : memref<!tpu.dma_semaphore, #tpu.memory_space<semaphore_mem>>) src(%dma_wait3A_26 : memref<10000xf32, #tpu.memory_space<hbm>>) dst(%arg6 : memref<10000xf32, #tpu.memory_space<vmem>>)
    %dma_wait3A_27 = arith.constant 0 : i32
    %dma_wait3A_28 = tpu.memref_slice %arg7[%dma_wait3A_27] : memref<336xf32, #tpu.memory_space<vmem>> -> memref<320xf32, #tpu.memory_space<vmem>>
    %dma_wait3A_29 = tpu.memref_slice %arg3[%min3A_3] : memref<20000xf32, #tpu.memory_space<hbm>> -> memref<320xf32, #tpu.memory_space<hbm>>
    %dma_wait3A_30 = arith.constant 0 : i32
    %dma_wait3A_31 = tpu.memref_slice %arg7[%dma_wait3A_30] : memref<336xf32, #tpu.memory_space<vmem>> -> memref<320xf32, #tpu.memory_space<vmem>>
    %dma_wait3A_32 = tpu.memref_slice %arg3[%min3A_3] : memref<20000xf32, #tpu.memory_space<hbm>> -> memref<320xf32, #tpu.memory_space<hbm>>
    tpu.wait_dma2 semaphore(%arg11 : memref<!tpu.dma_semaphore, #tpu.memory_space<semaphore_mem>>) src(%dma_wait3A_32 : memref<320xf32, #tpu.memory_space<hbm>>) dst(%dma_wait3A_31 : memref<320xf32, #tpu.memory_space<vmem>>)
    %dma_wait3A_33 = arith.constant 0 : i32
    %dma_wait3A_34 = arith.constant 0 : i32
    %dma_wait3A_35 = tpu.memref_slice %arg4[%dma_wait3A_33, %dma_wait3A_34] : memref<2x160000xi32, #tpu.memory_space<hbm>> -> memref<1x160000xi32, #tpu.memory_space<hbm>>
    %dma_wait3A_36 = tpu.memref_squeeze %dma_wait3A_35 : memref<1x160000xi32, #tpu.memory_space<hbm>> -> memref<160000xi32, #tpu.memory_space<hbm>>
    %dma_wait3A_37 = tpu.memref_slice %dma_wait3A_36[%mul3A_5] : memref<160000xi32, #tpu.memory_space<hbm>> -> memref<5120xi32, #tpu.memory_space<hbm>>
    %dma_wait3A_38 = arith.constant 0 : i32
    %dma_wait3A_39 = tpu.memref_slice %arg4[%dma_wait3A_33, %dma_wait3A_38] : memref<2x160000xi32, #tpu.memory_space<hbm>> -> memref<1x160000xi32, #tpu.memory_space<hbm>>
    %dma_wait3A_40 = tpu.memref_squeeze %dma_wait3A_39 : memref<1x160000xi32, #tpu.memory_space<hbm>> -> memref<160000xi32, #tpu.memory_space<hbm>>
    %dma_wait3A_41 = tpu.memref_slice %dma_wait3A_40[%mul3A_5] : memref<160000xi32, #tpu.memory_space<hbm>> -> memref<5120xi32, #tpu.memory_space<hbm>>
    tpu.wait_dma2 semaphore(%arg12 : memref<!tpu.dma_semaphore, #tpu.memory_space<semaphore_mem>>) src(%dma_wait3A_41 : memref<5120xi32, #tpu.memory_space<hbm>>) dst(%arg8 : memref<5120xi32, #tpu.memory_space<vmem>>)
    %parallel_loop3A = arith.constant 0 : i32
    %parallel_loop3A_42 = arith.constant 320 : i32
    %parallel_loop3A_43 = arith.constant 1 : i32
    scf.for %parallel_loop3A_44 = %parallel_loop3A to %parallel_loop3A_42 step %parallel_loop3A_43  : i32 {
      %parallel_loop3A_45 = arith.constant 16 : i32
      %parallel_loop3A_46 = arith.muli %parallel_loop3A_44, %parallel_loop3A_45 : i32
      %parallel_loop3A_47 = arith.index_cast %parallel_loop3A_46 : i32 to index
      %parallel_loop3A_48 = tpu.vector_load %arg8[%parallel_loop3A_47] {strides = array<i32>} : memref<5120xi32, #tpu.memory_space<vmem>>, vector<16xi32>,
      %parallel_loop3A_49 = arith.constant 10000 : i32
      %parallel_loop3A_50 = vector.broadcast %parallel_loop3A_49 : i32 to vector<16xi32>
      %parallel_loop3A_51 = arith.subi %parallel_loop3A_48, %parallel_loop3A_50 : vector<16xi32>
      %parallel_loop3A_52 = tpu.vector_load_idx %arg6[%parallel_loop3A_51] : memref<10000xf32, #tpu.memory_space<vmem>>[vector<16xi32>], vector<16xf32>,
      %parallel_loop3A_53 = arith.index_cast %parallel_loop3A_44 : i32 to index
      %parallel_loop3A_54 = tpu.vector_load %arg7[%parallel_loop3A_53] {strides = array<i32>} : memref<336xf32, #tpu.memory_space<vmem>>, vector<16xf32>,
      %parallel_loop3A_55 = vector.extract_strided_slice %parallel_loop3A_54 {offsets = [0], sizes = [1], strides = [1]} : vector<16xf32> to vector<1xf32>
      %parallel_loop3A_56 = vector.extract %parallel_loop3A_55[0] : f32 from vector<1xf32>
      %parallel_loop3A_57 = vector.broadcast %parallel_loop3A_56 : f32 to vector<16xf32>
      %parallel_loop3A_58 = arith.addf %parallel_loop3A_52, %parallel_loop3A_57 : vector<16xf32>
      %parallel_loop3A_59 = arith.constant 0.000000e+00 : f32
      %parallel_loop3A_60 = vector.broadcast %parallel_loop3A_59 : f32 to vector<16xf32>
      %parallel_loop3A_61 = arith.cmpf oge, %parallel_loop3A_58, %parallel_loop3A_60 : vector<16xf32>
      %parallel_loop3A_62 = arith.constant 0.00999999977 : f32
      %parallel_loop3A_63 = vector.broadcast %parallel_loop3A_62 : f32 to vector<16xf32>
      %parallel_loop3A_64 = arith.mulf %parallel_loop3A_58, %parallel_loop3A_63 : vector<16xf32>
      %parallel_loop3A_65 = arith.select %parallel_loop3A_61, %parallel_loop3A_58, %parallel_loop3A_64 : vector<16xi1>, vector<16xf32>
      %parallel_loop3A_66 = arith.constant true
      %parallel_loop3A_67 = vector.broadcast %parallel_loop3A_66 : i1 to vector<16xi1>
      %parallel_loop3A_68 = tpu.scan <max>, %parallel_loop3A_65 masked %parallel_loop3A_67 : vector<16xf32>, vector<16xi1> -> vector<16xf32>
      %parallel_loop3A_69 = vector.extract %parallel_loop3A_68[15] : f32 from vector<16xf32>
      %parallel_loop3A_70 = vector.broadcast %parallel_loop3A_69 : f32 to vector<16xf32>
      %parallel_loop3A_71 = arith.subf %parallel_loop3A_65, %parallel_loop3A_70 : vector<16xf32>
      %parallel_loop3A_72 = math.exp %parallel_loop3A_71 : vector<16xf32>
      %parallel_loop3A_73 = arith.constant true
      %parallel_loop3A_74 = vector.broadcast %parallel_loop3A_73 : i1 to vector<16xi1>
      %parallel_loop3A_75 = tpu.scan <sum>, %parallel_loop3A_72 masked %parallel_loop3A_74 : vector<16xf32>, vector<16xi1> -> vector<16xf32>
      %parallel_loop3A_76 = vector.extract %parallel_loop3A_75[15] : f32 from vector<16xf32>
      %parallel_loop3A_77 = vector.broadcast %parallel_loop3A_76 : f32 to vector<16xf32>
      %parallel_loop3A_78 = arith.divf %parallel_loop3A_72, %parallel_loop3A_77 : vector<16xf32>
      %parallel_loop3A_79 = arith.constant 16 : i32
      %parallel_loop3A_80 = arith.muli %parallel_loop3A_44, %parallel_loop3A_79 : i32
      %parallel_loop3A_81 = arith.index_cast %parallel_loop3A_80 : i32 to index
      %parallel_loop3A_82 = tpu.vector_load %arg9[%parallel_loop3A_81] {strides = array<i32>} : memref<5120xf32, #tpu.memory_space<vmem>>, vector<16xf32>,
      tpu.vector_store %arg9[%parallel_loop3A_81], %parallel_loop3A_78 {strides = array<i32>} : memref<5120xf32, #tpu.memory_space<vmem>>, vector<16xf32>,
    } {sc.loop_unroll_factor = 8 : i64, sc.parallel_access}
    "tpu.region"() ({
      %run_scoped3A = tpu.sem_alloc : memref<!tpu.dma_semaphore, #tpu.memory_space<semaphore_mem>>
      %dma_start3A_44 = tpu.memref_slice %arg5[%mul3A_5] : memref<160000xf32, #tpu.memory_space<hbm>> -> memref<5120xf32, #tpu.memory_space<hbm>>
      %dma_start3A_45 = tpu.memref_slice %arg5[%mul3A_5] : memref<160000xf32, #tpu.memory_space<hbm>> -> memref<5120xf32, #tpu.memory_space<hbm>>
      tpu.enqueue_dma source(%arg9 : memref<5120xf32, #tpu.memory_space<vmem>>) target(%dma_start3A_45 : memref<5120xf32, #tpu.memory_space<hbm>>) target_semaphore(%run_scoped3A : memref<!tpu.dma_semaphore, #tpu.memory_space<semaphore_mem>>)
      %dma_wait3A_46 = tpu.memref_slice %arg5[%mul3A_5] : memref<160000xf32, #tpu.memory_space<hbm>> -> memref<5120xf32, #tpu.memory_space<hbm>>
      %dma_wait3A_47 = tpu.memref_slice %arg5[%mul3A_5] : memref<160000xf32, #tpu.memory_space<hbm>> -> memref<5120xf32, #tpu.memory_space<hbm>>
      tpu.wait_dma2 semaphore(%run_scoped3A : memref<!tpu.dma_semaphore, #tpu.memory_space<semaphore_mem>>) src(%arg9 : memref<5120xf32, #tpu.memory_space<vmem>>) dst(%dma_wait3A_47 : memref<5120xf32, #tpu.memory_space<hbm>>)
      tpu.yield
    }) : () -> ()
    return
  }
}

module attributes {stable_mosaic.version = 14 : i64} {
  func.func @_tc_project_body(%arg0: i32, %arg1: memref<8192x256xf32, #tpu.memory_space<vmem>>, %arg2: memref<2x256xf32, #tpu.memory_space<vmem>>, %arg3: memref<8192xi32, #tpu.memory_space<vmem>>, %arg4: memref<8192xf32, #tpu.memory_space<vmem>>, %arg5: memref<8192xf32, #tpu.memory_space<vmem>>) attributes {dimension_semantics = [#tpu.dimension_semantics<arbitrary>], iteration_bounds = array<i64: 3>, scalar_prefetch = 0 : i64, scratch_operands = 0 : i64, tpu.core_type = #tpu.core_type<tc>, window_params = [{transform_indices = @transform_0, window_bounds = array<i64: 8192, 256>}, {pipeline_mode = #tpu.pipeline_mode<synchronous>, transform_indices = @transform_1, window_bounds = array<i64: 2, 256>}, {transform_indices = @transform_2, window_bounds = array<i64: 8192>}, {transform_indices = @transform_3, window_bounds = array<i64: 8192>}, {transform_indices = @transform_4, window_bounds = array<i64: 8192>}]} {
    %get3A = arith.constant 0 : index
    %get3A_0 = arith.constant 0 : index
    %get3A_1 = vector.load %arg1[%get3A, %get3A_0] : memref<8192x256xf32, #tpu.memory_space<vmem>>, vector<8192x256xf32>
    %get3A_2 = arith.constant 0 : index
    %get3A_3 = arith.constant 0 : index
    %get3A_4 = vector.load %arg2[%get3A_2, %get3A_3] : memref<2x256xf32, #tpu.memory_space<vmem>>, vector<2x256xf32>
    %dot_general3A = arith.constant dense<0.000000e+00> : vector<2x8192xf32>
    %dot_general3A_5 = tpu.matmul %get3A_4, %get3A_1, %dot_general3A {dimension_numbers = #tpu.dot_dimension_numbers<[1], [1], [0], [0], [0, 0, 1, 0], [], []>, transpose_lhs_hint = false} : vector<2x256xf32>, vector<8192x256xf32>, vector<2x8192xf32> -> vector<2x8192xf32>
    %get3A_6 = arith.constant 0 : index
    %get3A_7 = vector.load %arg3[%get3A_6] : memref<8192xi32, #tpu.memory_space<vmem>>, vector<8192xi32>
    %eq3A = arith.constant 3 : i32
    %eq3A_8 = vector.broadcast %eq3A : i32 to vector<8192xi32>
    %eq3A_9 = arith.cmpi eq, %get3A_7, %eq3A_8 : vector<8192xi32>
    %slice3A = vector.extract_strided_slice %dot_general3A_5 {offsets = [0, 0], sizes = [1, 8192], strides = [1, 1]} : vector<2x8192xf32> to vector<1x8192xf32>
    %squeeze3A = vector.shape_cast %slice3A : vector<1x8192xf32> to vector<8192xf32>
    %jit3A = arith.constant 0xFF800000 : f32
    %broadcast_in_dim3A = vector.broadcast %jit3A : f32 to vector<8192xf32>
    %select_n3A = arith.select %eq3A_9, %broadcast_in_dim3A, %squeeze3A : vector<8192xi1>, vector<8192xf32>
    %swap3A = arith.constant 0 : index
    %swap3A_10 = vector.load %arg4[%swap3A] : memref<8192xf32, #tpu.memory_space<vmem>>, vector<8192xf32>
    tpu.vector_store %arg4[%swap3A], %select_n3A {strides = array<i32>} : memref<8192xf32, #tpu.memory_space<vmem>>, vector<8192xf32>,
    %slice3A_11 = vector.extract_strided_slice %dot_general3A_5 {offsets = [1, 0], sizes = [1, 8192], strides = [1, 1]} : vector<2x8192xf32> to vector<1x8192xf32>
    %squeeze3A_12 = vector.shape_cast %slice3A_11 : vector<1x8192xf32> to vector<8192xf32>
    %swap3A_13 = arith.constant 0 : index
    %swap3A_14 = vector.load %arg5[%swap3A_13] : memref<8192xf32, #tpu.memory_space<vmem>>, vector<8192xf32>
    tpu.vector_store %arg5[%swap3A_13], %squeeze3A_12 {strides = array<i32>} : memref<8192xf32, #tpu.memory_space<vmem>>, vector<8192xf32>,
    return
  }
  func.func @transform_0(%arg0: i32) -> (i32, i32) {
    %c0_i32 = arith.constant 0 : i32
    %c0_i32_0 = arith.constant 0 : i32
    return %arg0, %c0_i32 : i32, i32
  }
  func.func @transform_1(%arg0: i32) -> (i32, i32) {
    %c0_i32 = arith.constant 0 : i32
    %c0_i32_0 = arith.constant 0 : i32
    %c0_i32_1 = arith.constant 0 : i32
    return %c0_i32, %c0_i32_0 : i32, i32
  }
  func.func @transform_2(%arg0: i32) -> i32 {
    %c0_i32 = arith.constant 0 : i32
    return %arg0 : i32
  }
  func.func @transform_3(%arg0: i32) -> i32 {
    %c0_i32 = arith.constant 0 : i32
    return %arg0 : i32
  }
  func.func @transform_4(%arg0: i32) -> i32 {
    %c0_i32 = arith.constant 0 : i32
    return %arg0 : i32
  }
}

</mosaic_0001>

<sc_bundles>
// kernel: kernel.4.cloned.1.call-start
scs
__scs_entry_jumppad:
0x0: {  	(pc) =	sbr.rel $0x88, $3  }
0x1: {  	(tag) =	ssettag $0x0;
	lr =	simm.s32 $0x1  }
0x2: {  	[smem:$0x3F9D] =	sst lr;
	_ =	strace $0xD0000000  }
0x3: {  	_ = 	snop  }
0x4: {  	_ = 	snop  }
0x5: {  	_ = 	snop  }
0x6: {  	_ = 	snop  }
0x7: {  	_ = 	snop  }
__scs_overlays_trampoline_lowered:
0x8: {  	[smem:$0x3FAC] =	sst s0  }
0x9: {  	[smem:$0x3FAD] =	sst s1  }
0xa: {  	[smem:$0x3FAE] =	sst s2  }
0xb: {  	[smem:$0x3FAF] =	sst s3  }
0xc: {  	[smem:$0x3FB0] =	sst s4  }
0xd: {  	[smem:$0x3FB1] =	sst s5  }
0xe: {  	[smem:$0x3FB2] =	sst s6  }
0xf: {  	[smem:$0x3FB3] =	sst s7  }
0x10: {  	[smem:$0x3FB4] =	sst s8  }
0x11: {  	[smem:$0x3FB5] =	sst s9;
	s0 =	simm.s32 @!p0 $0x0  }
0x12: {  	s1 =	sld [smem:$0x3F9B];
	s0 =	simm.s32 @p0 $0x1  }
0x13: {  	[smem:$0x3FB6] =	sst s0;
	s0 =	simm.s32 @!p1 $0x0  }
0x14: {  	s2 =	sld [smem:$0x3F9A];
	s0 =	simm.s32 @p1 $0x1  }
0x15: {  	[smem:$0x3FB7] =	sst s0;
	s0 =	simm.s32 @!p2 $0x0  }
0x16: {  	s3 =	sld [smem:$0x3FDB];
	s0 =	simm.s32 @p2 $0x1  }
0x17: {  	s4 =	simm.s32 $0x1BF5;
	[smem:$0x3FB9] =	sst s0  }
0x18: {  	s0 =	sld [smem:$0x3F9C];
	_ =	swait.ge [sflag:s4], $0x0  }
0x19: {  	s7 =	sld [smem:$0x3F9D]  }
0x1a: {  	s8 =	sadd.s32 $0xFFFFE003, lr  }
0x1b: {  	s9 =	sadd.s32 $0xFFFFFEF7, lr;
	s5 =	simm.s32 $0xFFFFFFFF;
	p2 =	slt.u32 s8, $0xFFFFF086  }
0x1c: {  	p1 =	slt.u32 s9, $0xF7A;
	s5 =	simm.s32 @!p2 $0x0  }
0x1d: {  	s5 =	simm.s32 @p1 $0x1;
	p0 =	seq.s32 s7, s2  }
0x1e: {  	s7 =	smul.u32 @!p0 $0xF7A, s2;
	p2 =	seq.s32 @!p0 s5, $0x0  }
0x1f: {  	s9 =	smul.u32 $0xF7A, s1;
	s8 =	simm.s32 @!p0 $0x1BF5;
	p2 =	por !p2, p0  }
0x20: {  	[sflag:s8] =	ssyncset.s32 @!p0 $0xFFFFF086;
	s6 =	sadd.s32 @!p0 s3, s7;
	s7 =	simm.s32 @!p0 $0x108  }
0x21: {  	s3 =	sadd.s32 s3, s9;
	s6 =	sadd.s32 @!p0 $0x88, s6;
	s7 =	simm.s32 @p2 $0x1082  }
0x22: {  	[simem:s7], [sflag:s8] =	dma.local @!p0 [hbm:s6], $0xF7A  }
0x23: {  	s9 =	sor.u32 $0xD0000000, s2;
	s6 =	simm.s32 $0x108;
	_ =	swait.ge @!p0 [sflag:s8], $0x0  }
0x24: {  	s3 =	sadd.s32 $0x88, s3;
	s6 =	simm.s32 @!p1 $0x1082;
	[sflag:s4] =	ssyncset.s32 $0xFFFFF086  }
0x25: {  	[simem:s6], [sflag:s4] =	dma.local [hbm:s3], $0xF7A  }
0x26: {  	[smem:$0x3F9D] =	sst s1;
	(tag) =	ssettag s2;
	_ =	strace s9  }
0x27: {  	s1 =	sld [smem:$0x3FAD]  }
0x28: {  	s2 =	sld [smem:$0x3FAE]  }
0x29: {  	s4 =	sld [smem:$0x3FB0]  }
0x2a: {  	p0 =	seq.s32 s5, $0x0;
	s5 =	sld [smem:$0x3FB1]  }
0x2b: {  	s6 =	sld [smem:$0x3FB2]  }
0x2c: {  	s7 =	sld [smem:$0x3FB3]  }
0x2d: {  	s3 =	simm.s32 $0x108;
	s8 =	sld [smem:$0x3FB4]  }
0x2e: {  	s3 =	simm.s32 @!p0 $0x1082;
	s9 =	sld [smem:$0x3FB5]  }
0x2f: {  	lr =	sadd.s32 s0, s3;
	s0 =	sld [smem:$0x3FAC]  }
0x30: {  	s3 =	sld [smem:$0x3FAF]  }
0x31: {  	[smem:$0x3FB8] =	sst s10  }
0x32: {  	s10 =	sld [smem:$0x3FB6];
	_ =	sdelay $0x3  }
0x33: {  	p0 =	seq.s32 s10, $0x1;
	s10 =	sld [smem:$0x3FB8];
	_ =	sdelay $0x3  }
0x34: {  	[smem:$0x3FB8] =	sst s10  }
0x35: {  	s10 =	sld [smem:$0x3FB7];
	_ =	sdelay $0x3  }
0x36: {  	p1 =	seq.s32 s10, $0x1;
	s10 =	sld [smem:$0x3FB8];
	_ =	sdelay $0x3  }
0x37: {  	[smem:$0x3FB8] =	sst s10  }
0x38: {  	s10 =	sld [smem:$0x3FB9]  }
0x39: {  	_ = 	snop;
	(pc) =	sbr.ind lr, $3  }
0x3a: {  	_ = 	snop  }
0x3b: {  	_ = 	snop  }
0x3c: {  	p2 =	seq.s32 s10, $0x1;
	s10 =	sld [smem:$0x3FB8]  }
0x3d: {  	_ =	shalt  }
0x3e: {  	_ =	shalt  }
0x3f: {  	_ =	shalt  }
0x40: {  	_ =	shalt  }
0x41: {  	_ =	shalt  }
0x42: {  	_ =	shalt  }
0x43: {  	_ =	shalt  }
0x44: {  	_ =	shalt  }
0x45: {  	_ =	shalt  }
0x46: {  	_ =	shalt  }
0x47: {  	_ =	shalt  }
0x48: {  	_ =	shalt  }
0x49: {  	_ =	shalt  }
0x4a: {  	_ =	shalt  }
0x4b: {  	_ =	shalt  }
0x4c: {  	_ =	shalt  }
0x4d: {  	_ =	shalt  }
0x4e: {  	_ =	shalt  }
0x4f: {  	_ =	shalt  }
0x50: {  	_ =	shalt  }
0x51: {  	_ =	shalt  }
0x52: {  	_ =	shalt  }
0x53: {  	_ =	shalt  }
0x54: {  	_ =	shalt  }
0x55: {  	_ =	shalt  }
0x56: {  	_ =	shalt  }
0x57: {  	_ =	shalt  }
0x58: {  	_ =	shalt  }
0x59: {  	_ =	shalt  }
0x5a: {  	_ =	shalt  }
0x5b: {  	_ =	shalt  }
0x5c: {  	_ =	shalt  }
0x5d: {  	_ =	shalt  }
0x5e: {  	_ =	shalt  }
0x5f: {  	_ =	shalt  }
0x60: {  	_ =	shalt  }
0x61: {  	_ =	shalt  }
0x62: {  	_ =	shalt  }
0x63: {  	_ =	shalt  }
0x64: {  	_ =	shalt  }
0x65: {  	_ =	shalt  }
0x66: {  	_ =	shalt  }
0x67: {  	_ =	shalt  }
0x68: {  	_ =	shalt  }
0x69: {  	_ =	shalt  }
0x6a: {  	_ =	shalt  }
0x6b: {  	_ =	shalt  }
0x6c: {  	_ =	shalt  }
0x6d: {  	_ =	shalt  }
0x6e: {  	_ =	shalt  }
0x6f: {  	_ =	shalt  }
0x70: {  	_ =	shalt  }
0x71: {  	_ =	shalt  }
0x72: {  	_ =	shalt  }
0x73: {  	_ =	shalt  }
0x74: {  	_ =	shalt  }
0x75: {  	_ =	shalt  }
0x76: {  	_ =	shalt  }
0x77: {  	_ =	shalt  }
0x78: {  	_ =	shalt  }
0x79: {  	_ =	shalt  }
0x7a: {  	_ =	shalt  }
0x7b: {  	_ =	shalt  }
0x7c: {  	_ =	shalt  }
0x7d: {  	_ =	shalt  }
0x7e: {  	_ =	shalt  }
0x7f: {  	_ =	shalt  }
0x80: {  	_ =	shalt  }
0x81: {  	_ =	shalt  }
0x82: {  	_ =	shalt  }
0x83: {  	_ =	shalt  }
0x84: {  	_ =	shalt  }
0x85: {  	_ =	shalt  }
0x86: {  	_ =	shalt  }
0x87: {  	_ =	shalt  }
.Lfunc_end0:
.L_simem_size_0:
called_computation_lowered:
.L_overlay_start_0:
0x88: {  	s2 =	sld [smem:$0x3FD9]  }
0x89: {  	s3 =	sld [smem:$0x3FFE];
	_ =	sdelay $0x1  }
0x8a: {  	s1 =	srdreg.scid  }
0x8b: {  	s0 =	sand.u32 $0x1, s1  }
0x8c: {  	s17 =	sshll.u32 s0, $0xA;
	s2 =	sadd.s32 s3, s2  }
0x8d: {  	s2 =	sadd.s32 s2, s17  }
0x8e: {  	[smem:$0x3FC4] =	sst s2  }
0x8f: {  	_ = 	snop  }
0x90: {  	s2 =	sld [smem:$0x3FC8]  }
0x91: {  	s18 =	sld [smem:$0x3FD0];
	(tm) =	ssettm $0x1  }
0x92: {  	s4 =	sld [smem:$0x3FFB];
	_ =	sdelay $0x3  }
0x93: {  	_ =	strace s4  }
0x94: {  	s4 =	sld [smem:$0x3FFC];
	_ =	sdelay $0x3  }
0x95: {  	_ =	strace s4  }
0x96: {  	s4 =	sld [smem:$0x3FFD];
	_ =	sdelay $0x3  }
0x97: {  	_ =	strace s4  }
0x98: {  	_ =	strace $0x8FFFFFFF  }
0x99: {  	s19 =	sld [smem:$0x3FDB];
	_ =	sdelay $0x1  }
0x9a: {  	s5 =	simm.s32 $_scs_section_size  }
0x9b: {  	s6 =	simm.s32 $_size__tile_overlayer_lowered;
	s7 =	simm.s32 $_tile_overlayer_lowered  }
0x9c: {  	s22 =	simm.s32 $0x1BFF;
	s21 =	sshll.u32 s7, $0x1;
	s4 =	sadd.s32 s5, s19  }
0x9d: {  	s8 =	simm.s32 $0x0;
	s20 =	sshll.u32 s6, $0x1;
	s6 =	sadd.s32 s21, s4  }
0x9e: {  	[timem:s8], [sflag:s22] =	dma.local [hbm:s6], s20  }
0x9f: {  	_ =	swait.ge [sflag:s22], s20  }
0xa0: {  	s5 =	ssub.s32 $0x0, s20;
	[sflag:s22] =	ssyncset.done $0x0  }
0xa1: {  	[sflag:s22] =	ssyncadd.s32 s5;
	_ =	sdelay $0x1  }
0xa2: {  	s23 =	simm.s32 $0x1B8B  }
0xa3: {  	_ =	swait.ge [sflag:s23], $0x1  }
0xa4: {  	[sflag:s23] =	ssyncset.done $0x0  }
0xa5: {  	s25 =	simm.s32 $0x1B8E;
	s24 =	sld [smem:$0x3FFE];
	[sflag:s23] =	ssyncadd.s32 $0xFFFFFFFF  }
0xa6: {  	s26 =	simm.s32 $execute0_lowered;
	[smem:$0x3FD2] =	sst s25  }
0xa7: {  	s6 =	sshll.u32 s26, $0x1;
	_ =	strace $0x80000046;
	[dreg:$0x1] =	wrdreg $0xFFFFFFFF  }
0xa8: {  	s28 =	simm.s32 $_size_execute0_lowered;
	s4 =	sadd.s32 s4, s6;
	[dreg:$0x0] =	wrdreg $0x0  }
0xa9: {  	s6 =	sshll.u32 s28, $0x1;
	[dreg:$0x2] =	wrdreg s4  }
0xaa: {  	[dreg:$0x3] =	wrdreg s6  }
0xab: {  	[dreg:$0x4] =	wrdreg $0xC0  }
0xac: {  	_ =	task [dreg:s8], $0x5FFFF  }
0xad: {  	[dreg:$0x1] =	wrdreg $0xFFFFFFFF  }
0xae: {  	[dreg:$0x0] =	wrdreg $0x60  }
0xaf: {  	[dreg:$0x2] =	wrdreg s24  }
0xb0: {  	[dreg:$0x3] =	wrdreg s2  }
0xb1: {  	[dreg:$0x4] =	wrdreg s18  }
0xb2: {  	[dreg:$0x5] =	wrdreg $0x9  }
0xb3: {  	_ =	task.clear_ibuf [dreg:s8], $0x6FFFF;
	_ =	strace $0x90000046  }
0xb4: {  	s29 =	simm.s32 $0x9;
	_ =	strace $0x80000048  }
0xb5: {  	_ =	swait.ge [sflag:s29], $0x1  }
0xb6: {  	[sflag:s29] =	ssyncadd.s32 $0xFFFFFFFF  }
0xb7: {  	_ =	strace $0x90000048  }
0xb8: {  	_ =	sfence  }
0xb9: {  	s30 =	sld [smem:$0x0];
	_ =	sdelay $0x2  }
0xba: {  	s31 =	sshll.u32 s1, $0xD;
	s1 =	sshrl.u32 s1, $0x2  }
0xbb: {  	s3 =	sand.u32 $0x4000, s31;
	s1 =	sadd.s32 s1, s30  }
0xbc: {  	s0 =	sor.u32 s3, s0;
	s1 =	sshll.u32 s1, $0x11  }
0xbd: {  	s0 =	sor.u32 s1, s0  }
0xbe: {  	s0 =	sadd.s32 $0x8F2B, s0  }
0xbf: {  	[sflag:s0] =	ssyncadd.remote.s32 $0x1  }
0xc0: {  	_ =	sfence.sel $0xFFFF  }
0xc1: {  	[dreg:$0x0] =	wrdreg $0xFFFFFFFF;
	(pc) =	sbr.abs _section_cstart, $3  }
0xc2: {  	[dreg:$0x1] =	wrdreg $0xFFFFFFFF  }
0xc3: {  	_ =	task.clear_ibuf [dreg:s8], $0x2FFFF;
	_ =	strace $0x9FFFFFFF  }
0xc4: {  	(tm) =	ssettm $0x7FFFFFFF  }
0xc5: {  	_ =	shalt  }
tec
execute0_lowered:
.L_overlay_start_1:
0x0: {  	(tag) =	ssettag $0x1  }
0x1: {  	s4 =	rddreg [dreg:$0x0]  }
0x2: {  	s1 =	srdreg.scid;
	s5 =	rddreg [dreg:$0x1]  }
0x3: {  	s0 =	stileid.u32;
	s7 =	rddreg [dreg:$0x2];
	s2 =	simm.s32 $0x0  }
0x4: {  	s11 =	simm.s32 $0x2900;
	s12 =	simm.s32 $0x1;
	s13 =	simm.s32 $0x2  }
0x5: {  	s14 =	simm.s32 $0x3;
	s3 =	sand.u32 $0x1, s1;
	s31 =	sshll.u32 s0, $0x1  }
0x6: {  	s15 =	simm.s32 $0x3D00;
	s16 =	simm.s32 $0x4;
	s1 =	sor.u32 s3, s31  }
0x7: {  	[smem:$0x7FF] =	sst s2;
	s3 =	ssub.s32 $0x2, s3;
	s6 =	smul.u32 $0x140, s1  }
0x8: {  	s17 =	simm.s32 $0x0;
	s1 =	rddreg [dreg:$0x3];
	s9 =	sshrl.u32 s3, $0x1  }
0x9: {  	_ =	strace $0x80000047;
	s9 =	ssub.s32 s3, s9;
	s6 =	smin.u32 s6, $0x25D0  }
0xa: {  	s3 =	sadd.s32 $0xEE2, s4;
	s8 =	sshrl.u32 s6, $0x3;
	s10 =	sshll.u32 s6, $0x2  }
0xb: {  	s6 =	sshll.u32 s6, $0x1;
	s8 =	sadd.s32 s8, s4;
	s5 =	sadd.s32 s5, s10  }
0xc: {  	s6 =	sadd.s32 s7, s6;
	s7 =	smax.u32 s9, $0x1;
	s9 =	simm.s32 $0x80  }
0xd: {  	s10 =	simm.s32 $0x100;
	s4 =	sadd.s32 $0x1400, s8;
	s8 =	simm.s32 $0x2780  }
.LBB2_1:
0xe: {  	[tilespmem:s2], [sflag:$0x1] =	stream.linear.gather [hbm4b:s3+s2], $0x2710, $0x38;
	[tilespmem:$0x5100] =	vst v63  }
0xf: {  	_ = 	snop  }
0x10: {  	[tilespmem:s8], [sflag:$0x2] =	stream.linear.gather [hbm4b:s4+s2], $0x140, $0x38;
	[tilespmem:$0x5100] =	vst v63  }
0x11: {  	_ = 	snop  }
0x12: {  	[tilespmem:s11], [sflag:$0x3] =	stream.strided.gather [hbm4b:s5+s9], $0x1400, s10, s9, $0x38;
	[tilespmem:$0x5100] =	vst v63  }
0x13: {  	_ =	swait.ge [sflag:s12], $0x2710  }
0x14: {  	[sflag:s12] =	ssyncset.done $0x0  }
0x15: {  	[sflag:s12] =	ssyncadd.s32 $0xFFFFD8F0  }
0x16: {  	_ =	swait.ge [sflag:s13], $0x140  }
0x17: {  	[sflag:s13] =	ssyncset.done $0x0  }
0x18: {  	[sflag:s13] =	ssyncadd.s32 $0xFFFFFEC0  }
0x19: {  	_ =	swait.ge [sflag:s14], $0x1400  }
0x1a: {  	[sflag:s14] =	ssyncset.done $0x0  }
0x1b: {  	s18 =	simm.s32 $0x2940;
	[sflag:s14] =	ssyncadd.s32 $0xFFFFEC00  }
0x1c: {  	v0 =	vld [tilespmem:s18+$0xFFFFFFC0]  }
0x1d: {  	v1 =	vld [tilespmem:s18+$0x0]  }
0x1e: {  	v2 =	vld [tilespmem:s18+$0x20]  }
0x1f: {  	v3 =	vld [tilespmem:s18+$0xFFFFFFE0]  }
0x20: {  	v4 =	vld [tilespmem:s18+$0x30]  }
0x21: {  	v5 =	vld [tilespmem:s18+$0xFFFFFFF0];
	v0 =	vadd.s32 $0xFFFFD8F0, v0  }
0x22: {  	s19 =	simm.s32 $0x2784;
	v6 =	vld [tilespmem:s18+$0x10]  }
0x23: {  	v7 =	vld.msk [tilespmem:s19+$0xFFFFFFFC ss:$0x0], $0xffff;
	v2 =	vadd.s32 $0xFFFFD8F0, v2  }
0x24: {  	v8 =	vld.msk [tilespmem:s19+$0xFFFFFFFE ss:$0x0], $0xffff  }
0x25: {  	v9 =	vld [tilespmem:s18+$0xFFFFFFD0];
	v3 =	vadd.s32 $0xFFFFD8F0, v3  }
0x26: {  	v4 =	vadd.s32 $0xFFFFD8F0, v4;
	v0 =	vld.idx.msk [tilespmem:v0+s2+$0x0], $0xffff  }
0x27: {  	v10 =	vld.msk [tilespmem:s19+$0x2 ss:$0x0], $0xffff  }
0x28: {  	v2 =	vld.idx.msk [tilespmem:v2+s2+$0x0], $0xffff  }
0x29: {  	v11 =	vld.msk [tilespmem:s19+$0x3 ss:$0x0], $0xffff;
	v1 =	vadd.s32 $0xFFFFD8F0, v1  }
0x2a: {  	v3 =	vld.idx.msk [tilespmem:v3+s2+$0x0], $0xffff  }
0x2b: {  	v4 =	vld.idx.msk [tilespmem:v4+s2+$0x0], $0xffff;
	v0 =	vadd.f32 v7, v0;
	v7 =	vadd.s32 $0xFFFFD8F0, v9  }
0x2c: {  	v12 =	vld.msk [tilespmem:s19+$0x0 ss:$0x0], $0xffff;
	v6 =	vadd.s32 $0xFFFFD8F0, v6  }
0x2d: {  	v13 =	vld.msk [tilespmem:s19+$0x1 ss:$0x0], $0xffff;
	v5 =	vadd.s32 $0xFFFFD8F0, v5;
	v2 =	vadd.f32 v10, v2;
	v10 =	vmul.f32 $9.999999770e-03, v0  }
0x2e: {  	v1 =	vld.idx.msk [tilespmem:v1+s2+$0x0], $0xffff;
	vm0 =	vge.f32 v0, $0.0e+00  }
0x2f: {  	v3 =	vadd.f32 v8, v3;
	v0 =	vsel vm0, v0, v10;
	v10 =	vld.msk [tilespmem:s19+$0xFFFFFFFD ss:$0x0], $0xffff  }
0x30: {  	v4 =	vadd.f32 v11, v4;
	v8 =	vmul.f32 $9.999999770e-03, v2;
	v7 =	vld.idx.msk [tilespmem:v7+s2+$0x0], $0xffff  }
0x31: {  	v6 =	vld.idx.msk [tilespmem:v6+s2+$0x0], $0xffff;
	vm7 =	vge.f32 v2, $0.0e+00;
	v11 =	vmul.f32 $9.999999770e-03, v3  }
0x32: {  	v5 =	vld.idx.msk [tilespmem:v5+s2+$0x0], $0xffff;
	vm8 =	vge.f32 v3, $0.0e+00;
	v2 =	vsel vm7, v2, v8;
	v8 =	vmul.f32 $9.999999770e-03, v4;
	(xrf0) =	vmax.scan.msk.f32 $0xffff, v0  }
0x33: {  	s29 =	simm.s32 $0x29C0;
	v9 =	vld.msk [tilespmem:s19+$0xFFFFFFFF ss:$0x0], $0xffff;
	vm9 =	vge.f32 v4, $0.0e+00;
	v3 =	vsel vm8, v3, v11;
	(xrf0) =	vmax.scan.msk.f32 $0xffff, v2  }
0x34: {  	v1 =	vadd.f32 v12, v1;
	v12 =	vld [tilespmem:s29+$0xFFFFFFE0];
	v4 =	vsel vm9, v4, v8;
	(xrf0) =	vmax.scan.msk.f32 $0xffff, v3  }
0x35: {  	v8 =	vld [tilespmem:s29+$0x0];
	(xrf0) =	vmax.scan.msk.f32 $0xffff, v4;
	v7 =	vadd.f32 v10, v7  }
0x36: {  	v15 =	vld [tilespmem:s29+$0xFFFFFFF0];
	v6 =	vadd.f32 v13, v6  }
0x37: {  	v10 =	vld [tilespmem:s29+$0xFFFFFFC0];
	v13 =	vmul.f32 $9.999999770e-03, v7  }
0x38: {  	v19 =	vld [tilespmem:s29+$0x30];
	v18 =	vmul.f32 $9.999999770e-03, v6;
	v14, _, _ =	vpop (xrf0)  }
0x39: {  	v17 =	vld [tilespmem:s29+$0x20];
	vm1 =	vge.f32 v6, $0.0e+00;
	v5 =	vadd.f32 v9, v5;
	v12 =	vadd.s32 $0xFFFFD8F0, v12;
	v16, _, _ =	vpop (xrf0)  }
0x3a: {  	s30 =	simm.s32 $0x278C;
	v21 =	vld [tilespmem:s29+$0x10];
	v6 =	vsel vm1, v6, v18;
	v8 =	vadd.s32 $0xFFFFD8F0, v8;
	vm10 =	vge.f32 v7, $0.0e+00;
	v9, _, _ =	vpop (xrf0)  }
0x3b: {  	v11 =	vld.msk [tilespmem:s30+$0x0 ss:$0x0], $0xffff;
	v20 =	vmul.f32 $9.999999770e-03, v5;
	v7 =	vsel vm10, v7, v13;
	v9 =	vbroadcast v9, $0xF;
	v13, _, _ =	vpop (xrf0)  }
0x3c: {  	v18 =	vld.msk [tilespmem:s30+$0xFFFFFFFC ss:$0x0], $0xffff;
	vm11 =	vge.f32 v5, $0.0e+00;
	v10 =	vadd.s32 $0xFFFFD8F0, v10;
	v13 =	vbroadcast v13, $0xF  }
0x3d: {  	v19 =	vadd.s32 $0xFFFFD8F0, v19;
	v5 =	vsel vm11, v5, v20;
	v20 =	vld [tilespmem:s29+$0xFFFFFFD0];
	(xrf0) =	vmax.scan.msk.f32 $0xffff, v7;
	v3 =	vsub.f32 v3, v9  }
0x3e: {  	v12 =	vld.idx.msk [tilespmem:v12+s2+$0x0], $0xffff;
	(xrf0) =	vmax.scan.msk.f32 $0xffff, v6;
	v4 =	vsub.f32 v4, v13  }
0x3f: {  	v16 =	vbroadcast v16, $0xF;
	v8 =	vld.idx.msk [tilespmem:v8+s2+$0x0], $0xffff;
	(xrf0) =	vmax.scan.msk.f32 $0xffff, v5;
	v3 =	vmul.f32 $1.442695020e+00, v3;
	v13 =	vadd.s32 $0xFFFFD8F0, v17  }
0x40: {  	v9 =	vld.msk [tilespmem:s30+$0xFFFFFFFE ss:$0x0], $0xffff;
	v17 =	vmul.f32 $9.999999770e-03, v1;
	v4 =	vmul.f32 $1.442695020e+00, v4  }
0x41: {  	vm12 =	vge.f32 v1, $0.0e+00;
	v14 =	vbroadcast v14, $0xF;
	v10 =	vld.idx.msk [tilespmem:v10+s2+$0x0], $0xffff  }
0x42: {  	v1 =	vsel vm12, v1, v17;
	v17 =	vld.idx.msk [tilespmem:v19+s2+$0x0], $0xffff;
	v19 =	vadd.s32 $0xFFFFD8F0, v20;
	(erf) = vpow2.f32 v4  }
0x43: {  	v0 =	vsub.f32 v0, v14;
	v2 =	vsub.f32 v2, v16;
	v16, _, _ =	vpop (xrf0);
	v4 =	vld.msk [tilespmem:s30+$0x2 ss:$0x0], $0xffff;
	(erf) = vpow2.f32 v3  }
0x44: {  	v21 =	vadd.s32 $0xFFFFD8F0, v21;
	v14 =	vbroadcast v16, $0xF;
	v13 =	vld.idx.msk [tilespmem:v13+s2+$0x0], $0xffff;
	v3, _, _ =	vpop (xrf0)  }
0x45: {  	v22 =	vadd.s32 $0xFFFFD8F0, v15;
	v0 =	vmul.f32 $1.442695020e+00, v0;
	v20 =	vld.msk [tilespmem:s30+$0xFFFFFFFF ss:$0x0], $0xffff;
	v9 =	vadd.f32 v9, v12;
	v16, _, _ =	vpop (xrf0)  }
0x46: {  	v7 =	vsub.f32 v7, v14;
	v3 =	vbroadcast v3, $0xF;
	v14 =	vbroadcast v16, $0xF;
	v16 =	vld.msk [tilespmem:s30+$0x3 ss:$0x0], $0xffff  }
0x47: {  	v2 =	vmul.f32 $1.442695020e+00, v2;
	v8 =	vadd.f32 v11, v8;
	v10 =	vadd.f32 v18, v10;
	(xrf0) =	vmax.scan.msk.f32 $0xffff, v1;
	v11 =	vld.idx.msk [tilespmem:v19+s2+$0x0], $0xffff  }
0x48: {  	vm15 =	vge.f32 v9, $0.0e+00;
	(erf) = vpow2.f32 v0;
	v0 =	vsub.f32 v6, v3;
	v6 =	vld.msk [tilespmem:s30+$0xFFFFFFFD ss:$0x0], $0xffff  }
0x49: {  	v12 =	vld.msk [tilespmem:s30+$0x1 ss:$0x0], $0xffff;
	(erf) = vpow2.f32 v2;
	v3 =	vmul.f32 $9.999999770e-03, v10;
	v4 =	vadd.f32 v4, v13  }
0x4a: {  	vm13 =	vge.f32 v10, $0.0e+00;
	v5 =	vsub.f32 v5, v14;
	v14 =	vld.idx.msk [tilespmem:v22+s2+$0x0], $0xffff;
	v0 =	vmul.f32 $1.442695020e+00, v0  }
0x4b: {  	v18 =	vld.idx.msk [tilespmem:v21+s2+$0x0], $0xffff;
	v3 =	vsel vm13, v10, v3;
	v10 =	vmul.f32 $9.999999770e-03, v4;
	v13 =	vadd.f32 v16, v17;
	v15 =	vpop (erf)  }
0x4c: {  	(xrf0) =	vmax.scan.msk.f32 $0xffff, v3;
	vm14 =	vge.f32 v4, $0.0e+00;
	v17 =	vmul.f32 $9.999999770e-03, v9;
	(erf) = vpow2.f32 v0;
	v16 =	vpop (erf)  }
0x4d: {  	s31 =	simm.s32 $0x2A40;
	v2, _, _ =	vpop (xrf0);
	v11 =	vadd.f32 v6, v11;
	v4 =	vsel vm14, v4, v10;
	v10 =	vmul.f32 $9.999999770e-03, v13;
	(xrf2) =	vadd.scan.msk.f32 $0xffff, v16  }
0x4e: {  	v21 =	vld [tilespmem:s31+$0x20];
	v0 =	vbroadcast v2, $0xF;
	v9 =	vsel vm15, v9, v17;
	vm4 =	vge.f32 v13, $0.0e+00;
	(xrf0) =	vmax.scan.msk.f32 $0xffff, v4  }
0x4f: {  	v10 =	vsel vm4, v13, v10;
	(xrf0) =	vmax.scan.msk.f32 $0xffff, v9;
	v13 =	vadd.f32 v20, v14;
	v14 =	vmul.f32 $9.999999770e-03, v11  }
0x50: {  	v12 =	vadd.f32 v12, v18;
	vm5 =	vge.f32 v11, $0.0e+00;
	v0 =	vsub.f32 v1, v0;
	(xrf0) =	vmax.scan.msk.f32 $0xffff, v10  }
0x51: {  	v7 =	vmul.f32 $1.442695020e+00, v7;
	v17 =	vld [tilespmem:s31+$0x0];
	v6 =	vpop (erf);
	v11 =	vsel vm5, v11, v14;
	v14 =	vmul.f32 $9.999999770e-03, v13  }
0x52: {  	v18 =	vmul.f32 $9.999999770e-03, v12;
	v1 =	vld [tilespmem:s31+$0xFFFFFFC0];
	(xrf2) =	vadd.scan.msk.f32 $0xffff, v6;
	v0 =	vmul.f32 $1.442695020e+00, v0  }
0x53: {  	v21 =	vadd.s32 $0xFFFFD8F0, v21;
	v2 =	vmul.f32 $9.999999770e-03, v8;
	vm6 =	vge.f32 v12, $0.0e+00;
	v19, _, _ =	vpop (xrf0)  }
0x54: {  	v12 =	vsel vm6, v12, v18;
	vm7 =	vge.f32 v13, $0.0e+00;
	v19 =	vbroadcast v19, $0xF;
	v20, _, _ =	vpop (xrf0)  }
0x55: {  	v23 =	vld [tilespmem:s31+$0x10];
	(xrf0) =	vmax.scan.msk.f32 $0xffff, v11;
	(erf) = vpow2.f32 v0;
	v13 =	vsel vm7, v13, v14;
	v20 =	vbroadcast v20, $0xF;
	v14, _, _ =	vpop (xrf0)  }
0x56: {  	(xrf2) =	vadd.scan.msk.f32 $0xffff, v15;
	v17 =	vadd.s32 $0xFFFFD8F0, v17;
	(erf) = vpow2.f32 v7;
	v7 =	vld [tilespmem:s31+$0xFFFFFFE0];
	v14 =	vbroadcast v14, $0xF;
	v0, _, _ =	vpop (xrf0)  }
0x57: {  	v26 =	vld [tilespmem:s31+$0x30];
	v1 =	vadd.s32 $0xFFFFD8F0, v1;
	(xrf0) =	vmax.scan.msk.f32 $0xffff, v12;
	v20 =	vsub.f32 v4, v20;
	v24 =	vbroadcast v0, $0xF;
	v4, _, _ =	vpop (xrf2)  }
0x58: {  	s21 =	simm.s32 $0x2794;
	v22 =	vld [tilespmem:s31+$0xFFFFFFF0];
	v3 =	vsub.f32 v3, v19;
	(xrf0) =	vmax.scan.msk.f32 $0xffff, v13;
	v0 =	vpop (erf);
	v9 =	vsub.f32 v9, v14;
	v25 =	vbroadcast v4, $0xF  }
0x59: {  	vm8 =	vge.f32 v8, $0.0e+00;
	v5 =	vmul.f32 $1.442695020e+00, v5;
	v18 =	vld.msk [tilespmem:s21+$0x0 ss:$0x0], $0xffff;
	v4 =	vpop (erf);
	v10 =	vsub.f32 v10, v24  }
0x5a: {  	v27 =	vsel vm8, v8, v2;
	v21 =	vld.idx.msk [tilespmem:v21+s2+$0x0], $0xffff;
	v55 =	vmul.f32 $1.442695020e+00, v3;
	(xrf2) =	vadd.scan.msk.f32 $0xffff, v4;
	(erf) = vrcp.f32 v25  }
0x5b: {  	v17 =	vld.idx.msk [tilespmem:v17+s2+$0x0], $0xffff;
	v7 =	vadd.s32 $0xFFFFD8F0, v7;
	v19 =	vmul.f32 $1.442695020e+00, v20;
	v14, _, _ =	vpop (xrf0);
	(xrf0) =	vmax.scan.msk.f32 $0xffff, v27;
	v10 =	vmul.f32 $1.442695020e+00, v10  }
0x5c: {  	v1 =	vld.idx.msk [tilespmem:v1+s2+$0x0], $0xffff;
	v3 =	vmul.f32 $1.442695020e+00, v9;
	(erf) = vpow2.f32 v5;
	v5 =	vadd.s32 $0xFFFFD8F0, v23;
	v9, _, _ =	vpop (xrf2)  }
0x5d: {  	v20 =	vld.msk [tilespmem:s21+$0xFFFFFFFC ss:$0x0], $0xffff;
	v54, _, _ =	vpop (xrf0);
	(xrf2) =	vadd.scan.msk.f32 $0xffff, v0;
	(erf) = vpow2.f32 v10;
	v9 =	vbroadcast v9, $0xF  }
0x5e: {  	v8 =	vbroadcast v14, $0xF;
	v14 =	vld.msk [tilespmem:s21+$0x2 ss:$0x0], $0xffff;
	v23, _, _ =	vpop (xrf0);
	v24 =	vbroadcast v54, $0xF  }
0x5f: {  	v26 =	vadd.s32 $0xFFFFD8F0, v26;
	v2 =	vpop (erf);
	v10 =	vld [tilespmem:s31+$0xFFFFFFD0];
	v23 =	vbroadcast v23, $0xF;
	(erf) = vrcp.f32 v9  }
0x60: {  	v18 =	vadd.f32 v18, v17;
	v8 =	vsub.f32 v11, v8;
	v7 =	vld.idx.msk [tilespmem:v7+s2+$0x0], $0xffff;
	(erf) = vpow2.f32 v3;
	v3, _, _ =	vpop (xrf2)  }
0x61: {  	(xrf2) =	vadd.scan.msk.f32 $0xffff, v2;
	v12 =	vsub.f32 v12, v24;
	v60, _, _ =	vpop (xrf0);
	v28 =	vld.idx.msk [tilespmem:v5+s2+$0x0], $0xffff;
	v5 =	vsub.f32 v13, v23;
	v13 =	vbroadcast v3, $0xF  }
0x62: {  	v22 =	vadd.s32 $0xFFFFD8F0, v22;
	v30 =	vmul.f32 $9.999999770e-03, v18;
	v9 =	vld.msk [tilespmem:s21+$0xFFFFFFFE ss:$0x0], $0xffff;
	v11 =	vmul.f32 $1.442695020e+00, v8;
	v3 =	vpop (erf)  }
0x63: {  	v56 =	vld.msk [tilespmem:s21+$0x3 ss:$0x0], $0xffff;
	v8 =	vadd.f32 v20, v1;
	v12 =	vmul.f32 $1.442695020e+00, v12;
	(xrf2) =	vadd.scan.msk.f32 $0xffff, v3;
	(erf) = vrcp.f32 v13;
	v1 =	vpop (erf)  }
0x64: {  	v20 =	vld.msk [tilespmem:s21+$0x1 ss:$0x0], $0xffff;
	v14 =	vadd.f32 v14, v21;
	v24 =	vbroadcast v60, $0xF;
	v17 =	vadd.s32 $0xFFFFD8F0, v10;
	v21, _, _ =	vpop (xrf2)  }
0x65: {  	vm10 =	vge.f32 v18, $0.0e+00;
	v23 =	vld.idx.msk [tilespmem:v26+s2+$0x0], $0xffff;
	v10 =	vmul.f32 $1.442695020e+00, v5;
	v5 =	vpop (erf);
	(erf) = vpow2.f32 v55  }
0x66: {  	vm9 =	vge.f32 v8, $0.0e+00;
	v13 =	vmul.f32 $9.999999770e-03, v8;
	v16 =	vmul.f32 v1, v16;
	v1 =	vpop (erf)  }
0x67: {  	vm11 =	vge.f32 v14, $0.0e+00;
	v9 =	vadd.f32 v9, v7;
	(xrf2) =	vadd.scan.msk.f32 $0xffff, v5;
	v29, _, _ =	vpop (xrf2);
	(erf) = vpow2.f32 v19  }
0x68: {  	v58 =	vld.msk [tilespmem:s21+$0xFFFFFFFD ss:$0x0], $0xffff;
	v13 =	vsel vm9, v8, v13;
	v8 =	vmul.f32 $9.999999770e-03, v14;
	v21 =	vbroadcast v21, $0xF;
	v19 =	vpop (erf)  }
0x69: {  	v20 =	vadd.f32 v20, v28;
	(xrf0) =	vmax.scan.msk.f32 $0xffff, v13;
	vm12 =	vge.f32 v9, $0.0e+00;
	v31 =	vld.idx.msk [tilespmem:v17+s2+$0x0], $0xffff;
	v7 =	vpop (erf);
	(erf) = vpow2.f32 v12  }
0x6a: {  	v57 =	vld.msk [tilespmem:s21+$0xFFFFFFFF ss:$0x0], $0xffff;
	v23 =	vadd.f32 v56, v23;
	v12 =	vbroadcast v29, $0xF;
	(erf) = vrcp.f32 v21  }
0x6b: {  	s18 =	simm.s32 $0x3D40;
	v22 =	vld.idx.msk [tilespmem:v22+s2+$0x0], $0xffff;
	v17 =	vsel vm11, v14, v8;
	v59, _, _ =	vpop (xrf2);
	v14 =	vmul.f32 $9.999999770e-03, v9;
	v21 =	vmul.f32 $9.999999770e-03, v20  }
0x6c: {  	v8 =	vsel vm10, v18, v30;
	[tilespmem:s18+$0xFFFFFFE0] =	vst v16;
	vm13 =	vge.f32 v20, $0.0e+00;
	v62 =	vpop (erf);
	(erf) = vrcp.f32 v12  }
0x6d: {  	vm14 =	vge.f32 v23, $0.0e+00;
	v61 =	vmul.f32 v19, v6;
	v19 =	vmul.f32 $9.999999770e-03, v23;
	(xrf2) =	vadd.scan.msk.f32 $0xffff, v7;
	v16, _, _ =	vpop (xrf2)  }
0x6e: {  	(xrf0) =	vmax.scan.msk.f32 $0xffff, v17;
	v18 =	vsel vm12, v9, v14;
	v9 =	vbroadcast v59, $0xF;
	v26 =	vadd.f32 v58, v31;
	v6 =	vpop (erf)  }
0x6f: {  	v19 =	vsel vm14, v23, v19;
	v14 =	vsel vm13, v20, v21;
	v23 =	vbroadcast v16, $0xF;
	v21, _, _ =	vpop (xrf0)  }
0x70: {  	(xrf0) =	vmax.scan.msk.f32 $0xffff, v18;
	v20 =	vadd.f32 v57, v22;
	(erf) = vrcp.f32 v9;
	v22 =	vmul.f32 $9.999999770e-03, v26;
	v12 =	vpop (erf)  }
0x71: {  	s22 =	simm.s32 $0x10;
	[tilespmem:s18+$0xFFFFFFC0] =	vst v61;
	v15 =	vmul.f32 v62, v15;
	vm15 =	vge.f32 v26, $0.0e+00;
	(erf) = vrcp.f32 v23;
	v63, _, _ =	vpop (xrf2)  }
0x72: {  	s23 =	simm.s32 $0x2AC0;
	s20 =	simm.s32 $0x3DC0;
	s19 =	simm.s32 $0x3DC0;
	(xrf0) =	vmax.scan.msk.f32 $0xffff, v19;
	v23 =	vsub.f32 v27, v24;
	v16 =	vsel vm15, v26, v22;
	v22 =	vbroadcast v63, $0xF;
	v9 =	vpop (erf)  }
.LBB2_2:
0x73: {  	v24 =	vld [tilespmem:s23+$0x0];
	s22 =	sadd.s32 $0x8, s22;
	v30 =	vmul.f32 $9.999999770e-03, v20;
	s21 =	sadd.s32 $0x8, s21;
	s19 =	sadd.s32 $0x80, s19;
	v26 =	vpop (erf)  }
0x74: {  	v21 =	vbroadcast v21, $0xF;
	vm0 =	vge.f32 v20, $0.0e+00;
	v27 =	vld.msk [tilespmem:s21+$0x0 ss:$0x0], $0xffff;
	p0 =	slt.u32 s22, $0x138;
	v28, _, _ =	vpop (xrf0);
	v23 =	vmul.f32 $1.442695020e+00, v23;
	(xrf2) =	vadd.scan.msk.f32 $0xffff, v6  }
0x75: {  	v4 =	vmul.f32 v26, v4;
	v29 =	vld [tilespmem:s23+$0xFFFFFFC0];
	v31 =	vbroadcast v28, $0xF;
	(xrf0) =	vmax.scan.msk.f32 $0xffff, v16;
	[tilespmem:s18+$0x30] =	vst v15;
	v15 =	vpop (erf)  }
0x76: {  	v20 =	vsel vm0, v20, v30;
	v26 =	vld [tilespmem:s23+$0xFFFFFFF0];
	v25, _, _ =	vpop (xrf0);
	(xrf0) =	vmax.scan.msk.f32 $0xffff, v14;
	v0 =	vmul.f32 v15, v0;
	(erf) = vrcp.f32 v22  }
0x77: {  	v22 =	vld [tilespmem:s23+$0x10];
	v15 =	vbroadcast v25, $0xF;
	v17 =	vsub.f32 v17, v31;
	(xrf0) =	vmax.scan.msk.f32 $0xffff, v20;
	v25, _, _ =	vpop (xrf2);
	(erf) = vpow2.f32 v23  }
0x78: {  	v23 =	vadd.s32 $0xFFFFD8F0, v24;
	v24 =	vld [tilespmem:s23+$0x20];
	v28, _, _ =	vpop (xrf0);
	v25 =	vbroadcast v25, $0xF;
	(erf) = vpow2.f32 v11;
	[tilespmem:s18+$0x20] =	vst v0  }
0x79: {  	v31 =	vsub.f32 v13, v21;
	v11 =	vld [tilespmem:s23+$0x30];
	v17 =	vmul.f32 $1.442695020e+00, v17;
	v13 =	vbroadcast v28, $0xF;
	(xrf2) =	vadd.scan.msk.f32 $0xffff, v1;
	v21 =	vpop (erf)  }
0x7a: {  	v18 =	vsub.f32 v18, v15;
	v28 =	vadd.s32 $0xFFFFD8F0, v29;
	v29 =	vld [tilespmem:s23+$0xFFFFFFE0];
	v2 =	vmul.f32 v21, v2;
	[tilespmem:s18+$0x10] =	vst v4;
	v4 =	vpop (erf)  }
0x7b: {  	v21 =	vmul.f32 $1.442695020e+00, v31;
	v15 =	vld.msk [tilespmem:s21+$0xFFFFFFFF ss:$0x0], $0xffff;
	v31 =	vsub.f32 v19, v13;
	v19, _, _ =	vpop (xrf0);
	v3 =	vmul.f32 v4, v3  }
0x7c: {  	v0 =	vmov v12;
	v18 =	vmul.f32 $1.442695020e+00, v18;
	v30 =	vld.msk [tilespmem:s21+$0xFFFFFFFC ss:$0x0], $0xffff;
	v4, _, _ =	vpop (xrf0);
	(erf) = vrcp.f32 v25;
	[tilespmem:s18+$0x0] =	vst v2  }
0x7d: {  	v12 =	vld.idx.msk [tilespmem:v23+s2+$0x0], $0xffff;
	v23 =	vadd.s32 $0xFFFFD8F0, v24;
	v31 =	vmul.f32 $1.442695020e+00, v31;
	v13, _, _ =	vpop (xrf0);
	(erf) = vpow2.f32 v10;
	(xrf2) =	vadd.scan.msk.f32 $0xffff, v9  }
0x7e: {  	v10 =	vadd.s32 $0xFFFFD8F0, v22;
	v24 =	vld.msk [tilespmem:s21+$0xFFFFFFFE ss:$0x0], $0xffff;
	v22 =	vadd.s32 $0xFFFFD8F0, v11;
	v11 =	vbroadcast v19, $0xF;
	v19, _, _ =	vpop (xrf2);
	[tilespmem:s18+$0xFFFFFFD0] =	vst v3  }
0x7f: {  	v25 =	vld.idx.msk [tilespmem:v28+s2+$0x0], $0xffff;
	v28 =	vadd.s32 $0xFFFFD8F0, v29;
	(erf) = vpow2.f32 v31;
	v19 =	vbroadcast v19, $0xF;
	v3 =	vpop (erf)  }
0x80: {  	v26 =	vadd.s32 $0xFFFFD8F0, v26;
	v29 =	vld [tilespmem:s23+$0xFFFFFFD0];
	v11 =	vsub.f32 v16, v11;
	v2 =	vpop (erf);
	(xrf2) =	vadd.scan.msk.f32 $0xffff, v0;
	v5 =	vmul.f32 v3, v5  }
0x81: {  	v32 =	vbroadcast v13, $0xF;
	v31 =	vbroadcast v4, $0xF;
	v4 =	vmov v9;
	v16 =	vld.msk [tilespmem:s21+$0x2 ss:$0x0], $0xffff;
	v3 =	vpop (erf)  }
0x82: {  	v9 =	vld.idx.msk [tilespmem:v23+s2+$0x0], $0xffff;
	v11 =	vmul.f32 $1.442695020e+00, v11;
	(erf) = vrcp.f32 v19;
	[tilespmem:s18+$0xFFFFFFF0] =	vst v5;
	s18 =	smov.u32 s20;
	s20 =	smov.u32 s19  }
0x83: {  	v32 =	vsub.f32 v20, v32;
	v19 =	vld.idx.msk [tilespmem:v10+s2+$0x0], $0xffff;
	v10 =	vsub.f32 v14, v31;
	(erf) = vpow2.f32 v18;
	(xrf2) =	vadd.scan.msk.f32 $0xffff, v2;
	v13, _, _ =	vpop (xrf2)  }
0x84: {  	v14 =	vld.idx.msk [tilespmem:v28+s2+$0x0], $0xffff;
	v13 =	vbroadcast v13, $0xF  }
0x85: {  	v12 =	vadd.f32 v27, v12;
	v18 =	vadd.f32 v30, v25;
	v20 =	vld.idx.msk [tilespmem:v22+s2+$0x0], $0xffff;
	v22 =	vmul.f32 $1.442695020e+00, v10;
	v23 =	vpop (erf)  }
0x86: {  	v25 =	vadd.s32 $0xFFFFD8F0, v29;
	v10 =	vmul.f32 $1.442695020e+00, v32;
	v27 =	vld.msk [tilespmem:s21+$0x1 ss:$0x0], $0xffff;
	(xrf2) =	vadd.scan.msk.f32 $0xffff, v3;
	v5 =	vpop (erf);
	(erf) = vrcp.f32 v13  }
0x87: {  	v13 =	vmul.f32 $9.999999770e-03, v18;
	v7 =	vmul.f32 v23, v7;
	v26 =	vld.idx.msk [tilespmem:v26+s2+$0x0], $0xffff;
	v23, _, _ =	vpop (xrf2)  }
0x88: {  	vm0 =	vge.f32 v18, $0.0e+00;
	v9 =	vadd.f32 v16, v9;
	v16 =	vld.msk [tilespmem:s21+$0x3 ss:$0x0], $0xffff;
	(erf) = vpow2.f32 v21;
	(xrf0) =	vmax.scan.msk.f32 $0xffff, v8;
	v28 =	vpop (erf)  }
0x89: {  	v13 =	vsel vm0, v18, v13;
	vm0 =	vge.f32 v12, $0.0e+00;
	[tilespmem:s18+$0xFFFFFFE0] =	vst v7;
	(xrf2) =	vadd.scan.msk.f32 $0xffff, v5  }
0x8a: {  	v21 =	vbroadcast v23, $0xF;
	v14 =	vadd.f32 v24, v14;
	v30 =	vmul.f32 $9.999999770e-03, v9;
	v18 =	vld.msk [tilespmem:s21+$0xFFFFFFFD ss:$0x0], $0xffff;
	v23, _, _ =	vpop (xrf2)  }
0x8b: {  	vm1 =	vge.f32 v9, $0.0e+00;
	v24 =	vld.idx.msk [tilespmem:v25+s2+$0x0], $0xffff;
	v25 =	vmul.f32 $9.999999770e-03, v12;
	(erf) = vpow2.f32 v17;
	v29 =	vpop (erf)  }
0x8c: {  	v19 =	vadd.f32 v27, v19;
	v17 =	vsel vm1, v9, v30;
	(xrf0) =	vmax.scan.msk.f32 $0xffff, v13;
	v7 =	vpop (erf);
	(erf) = vpow2.f32 v22  }
0x8d: {  	vm1 =	vge.f32 v14, $0.0e+00;
	v9 =	vbroadcast v23, $0xF;
	v25 =	vsel vm0, v12, v25;
	v12, _, _ =	vpop (xrf2)  }
0x8e: {  	v22 =	vmul.f32 $9.999999770e-03, v14;
	v16 =	vadd.f32 v16, v20;
	v23, _, _ =	vpop (xrf0);
	(erf) = vrcp.f32 v21  }
0x8f: {  	v27 =	vmul.f32 v29, v6;
	v20 =	vmul.f32 $9.999999770e-03, v19;
	v29 =	vpop (erf)  }
0x90: {  	vm0 =	vge.f32 v19, $0.0e+00;
	v30 =	vmul.f32 $9.999999770e-03, v16;
	v31, _, _ =	vpop (xrf2);
	(erf) = vrcp.f32 v9  }
0x91: {  	v9 =	vadd.f32 v18, v24;
	v18 =	vsel vm1, v14, v22;
	v14 =	vsel vm0, v19, v20;
	v6 =	vpop (erf);
	(xrf2) =	vadd.scan.msk.f32 $0xffff, v7  }
.Ltmp0:
0x92: {  	v20 =	vadd.f32 v15, v26;
	vm0 =	vge.f32 v16, $0.0e+00;
	v15 =	vbroadcast v12, $0xF;
	v21, _, _ =	vpop (xrf0);
	(xrf0) =	vmax.scan.msk.f32 $0xffff, v17;
	(pc) =	sbr.rel @p0 .LBB2_2-.Ltmp0, $4  }
0x93: {  	v19 =	vsel vm0, v16, v30;
	v24 =	vbroadcast v31, $0xF;
	v22 =	vmul.f32 $9.999999770e-03, v9;
	[tilespmem:s18+$0xFFFFFFC0] =	vst v27;
	v26, _, _ =	vpop (xrf2)  }
0x94: {  	v23 =	vbroadcast v23, $0xF;
	vm0 =	vge.f32 v9, $0.0e+00;
	(xrf0) =	vmax.scan.msk.f32 $0xffff, v18;
	v12 =	vpop (erf);
	(erf) = vrcp.f32 v15  }
0x95: {  	v16 =	vsel vm0, v9, v22;
	v22 =	vbroadcast v26, $0xF;
	v9 =	vpop (erf);
	(erf) = vrcp.f32 v24  }
0x96: {  	s23 =	sadd.s32 $0x80, s23;
	v23 =	vsub.f32 v8, v23;
	v8 =	vmovc v25;
	v15 =	vmul.f32 v29, v1;
	v1 =	vmov v28;
	(xrf0) =	vmax.scan.msk.f32 $0xffff, v19  }
0x97: {  	(xrf2) =	vadd.scan.msk.f32 $0xffff, v6;
	_ =	sdelay $0x2  }
0x98: {  	v24, _, _ =	vpop (xrf0)  }
0x99: {  	v23 =	vmul.f32 $1.442695020e+00, v23;
	v25, _, _ =	vpop (xrf0)  }
0x9a: {  	(xrf0) =	vmax.scan.msk.f32 $0xffff, v16;
	v26, _, _ =	vpop (xrf0)  }
0x9b: {  	(erf) = vrcp.f32 v22;
	(xrf2) =	vadd.scan.msk.f32 $0xffff, v1;
	v59 =	vbroadcast v26, $0xF  }
0x9c: {  	(xrf0) =	vmax.scan.msk.f32 $0xffff, v14;
	(erf) = vpow2.f32 v23;
	v60, _, _ =	vpop (xrf2)  }
0x9d: {  	v25 =	vbroadcast v25, $0xF;
	v23 =	vpop (erf);
	v26 =	vbroadcast v60, $0xF;
	v61 =	vsub.f32 v19, v59  }
0x9e: {  	(erf) = vpow2.f32 v11;
	v19 =	vpop (erf)  }
0x9f: {  	v18 =	vsub.f32 v18, v25;
	(erf) = vrcp.f32 v26;
	v11 =	vmul.f32 $1.442695020e+00, v61;
	v62, _, _ =	vpop (xrf2)  }
0xa0: {  	v63 =	vpop (erf);
	(erf) = vpow2.f32 v10;
	v33 =	vbroadcast v62, $0xF  }
0xa1: {  	v34, _, _ =	vpop (xrf0);
	v18 =	vmul.f32 $1.442695020e+00, v18;
	(erf) = vpow2.f32 v11  }
0xa2: {  	v35, _, _ =	vpop (xrf0);
	(erf) = vrcp.f32 v33  }
0xa3: {  	v22 =	vpop (erf);
	(erf) = vpow2.f32 v18  }
0xa4: {  	(xrf2) =	vadd.scan.msk.f32 $0xffff, v9;
	v37 =	vpop (erf)  }
0xa5: {  	v36 =	vmul.f32 $9.999999770e-03, v20;
	v28, _, _ =	vpop (xrf2)  }
0xa6: {  	vm0 =	vge.f32 v20, $0.0e+00;
	(xrf2) =	vadd.scan.msk.f32 $0xffff, v12;
	v27 =	vpop (erf)  }
0xa7: {  	(xrf2) =	vadd.scan.msk.f32 $0xffff, v27;
	v18 =	vsel vm0, v20, v36;
	v20 =	vpop (erf)  }
0xa8: {  	v21 =	vbroadcast v21, $0xF;
	(xrf0) =	vmax.scan.msk.f32 $0xffff, v18;
	v29 =	vpop (erf)  }
0xa9: {  	v24 =	vbroadcast v24, $0xF;
	(xrf2) =	vadd.scan.msk.f32 $0xffff, v20;
	v30 =	vpop (erf)  }
0xaa: {  	v13 =	vsub.f32 v13, v21;
	v10 =	vbroadcast v35, $0xF;
	(xrf2) =	vadd.scan.msk.f32 $0xffff, v30;
	v31 =	vpop (erf)  }
0xab: {  	v17 =	vsub.f32 v17, v24;
	v39 =	vbroadcast v28, $0xF;
	(xrf0) =	vmax.scan.msk.f32 $0xffff, v8;
	v38 =	vpop (erf)  }
0xac: {  	v13 =	vmul.f32 $1.442695020e+00, v13;
	v10 =	vsub.f32 v14, v10;
	v28 =	vpop (erf)  }
0xad: {  	v17 =	vmul.f32 $1.442695020e+00, v17;
	(erf) = vrcp.f32 v39;
	(xrf2) =	vadd.scan.msk.f32 $0xffff, v28  }
0xae: {  	v10 =	vmul.f32 $1.442695020e+00, v10;
	(erf) = vpow2.f32 v13;
	v41, _, _ =	vpop (xrf2)  }
0xaf: {  	v11 =	vbroadcast v34, $0xF;
	(erf) = vpow2.f32 v17;
	v40, _, _ =	vpop (xrf0)  }
0xb0: {  	(erf) = vpow2.f32 v10;
	v43, _, _ =	vpop (xrf2);
	v44 =	vbroadcast v41, $0xF  }
0xb1: {  	v42 =	vbroadcast v40, $0xF;
	v45, _, _ =	vpop (xrf0);
	v14 =	vbroadcast v43, $0xF  }
0xb2: {  	v51 =	vsub.f32 v16, v11;
	v46, _, _ =	vpop (xrf2);
	v10 =	vbroadcast v45, $0xF;
	(erf) = vrcp.f32 v44  }
0xb3: {  	v24 =	vbroadcast v46, $0xF;
	(erf) = vrcp.f32 v14;
	v47, _, _ =	vpop (xrf2)  }
0xb4: {  	v50 =	vsub.f32 v8, v10;
	v10 =	vmul.f32 $1.442695020e+00, v51;
	v48 =	vbroadcast v47, $0xF;
	v49, _, _ =	vpop (xrf2)  }
0xb5: {  	(erf) = vrcp.f32 v24;
	v52 =	vbroadcast v49, $0xF  }
0xb6: {  	v8 =	vmul.f32 $1.442695020e+00, v50;
	(erf) = vrcp.f32 v48  }
0xb7: {  	v13 =	vsub.f32 v18, v42;
	(erf) = vrcp.f32 v52;
	v53, _, _ =	vpop (xrf2)  }
0xb8: {  	v54 =	vpop (erf);
	(erf) = vpow2.f32 v8;
	v55 =	vbroadcast v53, $0xF  }
0xb9: {  	v56 =	vmul.f32 $1.442695020e+00, v13;
	v57 =	vpop (erf);
	(erf) = vpow2.f32 v10  }
0xba: {  	v10 =	vpop (erf);
	(erf) = vrcp.f32 v55  }
0xbb: {  	v8 =	vpop (erf);
	(erf) = vpow2.f32 v56  }
0xbc: {  	v58 =	vpop (erf)  }
0xbd: {  	v59 =	vpop (erf)  }
0xbe: {  	v60 =	vpop (erf)  }
0xbf: {  	(xrf2) =	vadd.scan.msk.f32 $0xffff, v57;
	v61 =	vpop (erf)  }
0xc0: {  	(xrf2) =	vadd.scan.msk.f32 $0xffff, v31;
	v62 =	vpop (erf)  }
0xc1: {  	(xrf2) =	vadd.scan.msk.f32 $0xffff, v8;
	v32 =	vpop (erf)  }
0xc2: {  	(xrf2) =	vadd.scan.msk.f32 $0xffff, v10;
	v33 =	vpop (erf)  }
0xc3: {  	(xrf2) =	vadd.scan.msk.f32 $0xffff, v32;
	v34 =	vpop (erf)  }
0xc4: {  	(xrf2) =	vadd.scan.msk.f32 $0xffff, v33;
	v35 =	vpop (erf)  }
0xc5: {  	(xrf2) =	vadd.scan.msk.f32 $0xffff, v35  }
0xc6: {  	v4 =	vmul.f32 v23, v4  }
0xc7: {  	v0 =	vmul.f32 v19, v0;
	v2 =	vmul.f32 v63, v2  }
0xc8: {  	v3 =	vmul.f32 v22, v3;
	v5 =	vmul.f32 v37, v5  }
0xc9: {  	[tilespmem:s18+$0x30] =	vst v15;
	v7 =	vmul.f32 v29, v7;
	v36 =	vmul.f32 v38, v6;
	v63, _, _ =	vpop (xrf2)  }
0xca: {  	[tilespmem:s18+$0x10] =	vst v4;
	v41 =	vmul.f32 v54, v1;
	v25, _, _ =	vpop (xrf2);
	v26 =	vbroadcast v63, $0xF  }
0xcb: {  	[tilespmem:s18+$0x20] =	vst v0;
	v48 =	vmul.f32 v58, v9;
	v37 =	vbroadcast v25, $0xF;
	v29, _, _ =	vpop (xrf2)  }
0xcc: {  	[tilespmem:s18+$0x0] =	vst v2;
	(erf) = vrcp.f32 v26;
	v38 =	vbroadcast v29, $0xF;
	v39, _, _ =	vpop (xrf2)  }
0xcd: {  	[tilespmem:s18+$0xFFFFFFD0] =	vst v3;
	(erf) = vrcp.f32 v37;
	v40 =	vbroadcast v39, $0xF;
	v42, _, _ =	vpop (xrf2)  }
0xce: {  	[tilespmem:s18+$0xFFFFFFF0] =	vst v5;
	(erf) = vrcp.f32 v38;
	v43, _, _ =	vpop (xrf2);
	v44 =	vbroadcast v42, $0xF  }
0xcf: {  	[tilespmem:s20+$0xFFFFFFE0] =	vst v7;
	(erf) = vrcp.f32 v40;
	v4 =	vbroadcast v43, $0xF;
	v46, _, _ =	vpop (xrf2)  }
0xd0: {  	[tilespmem:s20+$0xFFFFFFC0] =	vst v36;
	(erf) = vrcp.f32 v44;
	v47 =	vbroadcast v46, $0xF  }
0xd1: {  	[tilespmem:s20+$0x30] =	vst v41;
	v45 =	vmul.f32 v59, v12;
	(erf) = vrcp.f32 v4  }
0xd2: {  	v49 =	vmul.f32 v60, v27;
	[tilespmem:s20+$0x10] =	vst v48;
	(erf) = vrcp.f32 v47  }
0xd3: {  	[tilespmem:s20+$0x20] =	vst v45;
	v50 =	vmul.f32 v61, v20  }
0xd4: {  	[tilespmem:s20+$0x0] =	vst v49;
	v52 =	vmul.f32 v62, v30  }
0xd5: {  	[tilespmem:s20+$0xFFFFFFD0] =	vst v50;
	v53 =	vmul.f32 v34, v28;
	v51 =	vpop (erf)  }
0xd6: {  	s31 =	sadd.s32 $0x80, s19;
	[tilespmem:s20+$0xFFFFFFF0] =	vst v52;
	v54 =	vpop (erf);
	v55 =	vmul.f32 v51, v57  }
0xd7: {  	[tilespmem:s31+$0xFFFFFFE0] =	vst v53;
	v57 =	vmul.f32 v54, v31;
	v56 =	vpop (erf)  }
0xd8: {  	[tilespmem:s31+$0xFFFFFFC0] =	vst v55;
	v58 =	vpop (erf);
	v2 =	vmul.f32 v56, v8  }
0xd9: {  	[tilespmem:s31+$0x30] =	vst v57;
	v59 =	vmul.f32 v58, v10;
	v60 =	vpop (erf)  }
0xda: {  	[tilespmem:s31+$0x10] =	vst v2;
	v0 =	vmul.f32 v60, v32;
	v61 =	vpop (erf)  }
0xdb: {  	[tilespmem:s31+$0x20] =	vst v59;
	v1 =	vmul.f32 v61, v33;
	v62 =	vpop (erf)  }
0xdc: {  	s17 =	sadd.s32 $0x1, s17;
	[tilespmem:s31+$0x0] =	vst v0;
	v63 =	vmul.f32 v62, v35  }
0xdd: {  	p0 =	sne.s32 s17, s7;
	[tilespmem:s31+$0xFFFFFFD0] =	vst v1  }
.Ltmp1:
0xde: {  	[tilespmem:s31+$0xFFFFFFF0] =	vst v63;
	(pc) =	sbr.rel @p0 .LBB2_1-.Ltmp1, $4  }
0xdf: {  	[hbm4b:s6+s2] =	stream.linear.scatter [tilespmem:s15], [sflag:$0x4], $0x1400, $0x38;
	[tilespmem:$0x5100] =	vst v63  }
0xe0: {  	_ =	swait.ge [sflag:s16], $0x1400  }
0xe1: {  	[sflag:s16] =	ssyncset.done $0x0  }
0xe2: {  	[sflag:s16] =	ssyncadd.s32 $0xFFFFEC00  }
0xe3: {  	_ =	sfence.sel $0x180000  }
0xe4: {  	[bflag:$0x0] =	sbarrier.arrive $0xFFFF  }
0xe5: {  	p0 =	sne.s32 s0, $0x0;
	_ =	strace $0x90000047  }
0xe6: {  	s0 =	sadd.s32 @!p0 $0x100000, s1;
	[bflag:$0x2] =	sbarrier.arrive $0xFFFF  }
0xe7: {  	[sflag:s0] =	ssyncadd.tile.s32 @!p0 $0x1;
	_ =	shalt  }
.Lfunc_end2:
_tile_overlayer_lowered:
.L_overlay_start_2:
0xe8: {  	(tag) =	ssettag $0x2  }
0xe9: {  	s0 =	rddreg [dreg:$0x0];
	s2 =	stileid.u32  }
0xea: {  	s1 =	rddreg [dreg:$0x1];
	p0 =	sne.s32 s2, $0x0  }
0xeb: {  	s3 =	rddreg [dreg:$0x2];
	[bflag:$0x3] =	sbarrier.arrive $0xFFFF;
	s2 =	simm.s32 @!p0 $0x1C04  }
0xec: {  	[timem:s3], [sflag:s2] =	dma.local @!p0 [hbm:s0], s1  }
0xed: {  	s0 =	simm.s32 @!p0 $0x4  }
0xee: {  	_ =	swait.ge @!p0 [sflag:s0], s1  }
0xef: {  	s1 =	ssub.s32 @!p0 $0x0, s1;
	[sflag:s0] =	ssyncset.done @!p0 $0x0  }
0xf0: {  	[sflag:s0] =	ssyncadd.s32 @!p0 s1  }
0xf1: {  	[bflag:$0x3] =	sbarrier.arrive $0xFFFF  }
0xf2: {  	_ =	shalt  }

</sc_bundles>
